<compile_context>
chip_gen: v7x
topology: tpu7x:2x2x1
jax: 0.10.2.dev20260603
libtpu: 0.0.44.dev20260713+nightly
codegen_flags: <defaults>
</compile_context>

<pallas_src>
import functools

import jax
import jax.numpy as jnp
from jax import lax
from jax.experimental import pallas as pl
from jax.experimental.pallas import tpu as pltpu
from jax.experimental.pallas import tpu_sc as plsc

TABLE_SIZE = 1000000
MEM_DIM = 128
DIM = 2048

_NC = 2
_NS = 16
_NW = _NC * _NS

_BLOCK_ROWS = 1024
_SC_SUB = 2


def _sc_gather(table, idx, n_rows):
    b_per_w = n_rows // _NW
    sub = b_per_w // _SC_SUB
    mesh = plsc.VectorSubcoreMesh(core_axis_name="c", subcore_axis_name="s")

    @functools.partial(
        pl.kernel,
        mesh=mesh,
        out_type=jax.ShapeDtypeStruct((n_rows, MEM_DIM), jnp.float32),
        scratch_types=[
            pltpu.VMEM((b_per_w,), jnp.int32),
            pltpu.VMEM((b_per_w, MEM_DIM), jnp.float32),
            [pltpu.SemaphoreType.DMA] * _SC_SUB,
            pltpu.SemaphoreType.DMA,
        ],
    )
    def gather_kernel(table_hbm, idx_hbm, out_hbm, idx_v, rows_v, gsems, wsem):
        wid = lax.axis_index("s") * _NC + lax.axis_index("c")
        base = wid * b_per_w
        pltpu.sync_copy(idx_hbm.at[pl.ds(base, b_per_w)], idx_v)
        gathers = [
            pltpu.async_copy(
                table_hbm.at[idx_v.at[pl.ds(s * sub, sub)]],
                rows_v.at[pl.ds(s * sub, sub)], gsems[s])
            for s in range(_SC_SUB)
        ]
        writes = []
        for s in range(_SC_SUB):
            gathers[s].wait()
            writes.append(pltpu.async_copy(
                rows_v.at[pl.ds(s * sub, sub)],
                out_hbm.at[pl.ds(base + s * sub, sub)], wsem))
        for w in writes:
            w.wait()

    return gather_kernel(table, idx)


def _mm_body(ids_ref, mem_ref, w_ref, out_ref):
    mask = (ids_ref[0, 0, :] != 0).astype(jnp.float32)
    mem = mem_ref[...] * mask[:, None]
    out_ref[...] = lax.dot_general(
        mem, w_ref[...], (((1,), (1,)), ((), ())),
        preferred_element_type=jnp.float32)


def _tc_matmul(mem, w, ids3, n_rows):
    grid = (n_rows // _BLOCK_ROWS,)
    return pl.pallas_call(
        _mm_body,
        grid=grid,
        in_specs=[
            pl.BlockSpec((1, 1, _BLOCK_ROWS), lambda i: (i, 0, 0)),
            pl.BlockSpec((_BLOCK_ROWS, MEM_DIM), lambda i: (i, 0)),
            pl.BlockSpec((DIM, MEM_DIM), lambda i: (0, 0)),
        ],
        out_specs=pl.BlockSpec((_BLOCK_ROWS, DIM), lambda i: (i, 0)),
        out_shape=jax.ShapeDtypeStruct((n_rows, DIM), jnp.float32),
    )(ids3, mem, w)


def kernel(x, bigram_ids, layer_id, collect_stats, E, W):
    b, s = bigram_ids.shape
    n_rows = b * s
    ids = bigram_ids.reshape(n_rows).astype(jnp.int32)
    mem = _sc_gather(E, ids, n_rows)
    ids3 = ids.reshape(n_rows // _BLOCK_ROWS, 1, _BLOCK_ROWS)
    out = _tc_matmul(mem, W, ids3, n_rows)
    return out.reshape(b, s, DIM)

# --- scband reference (transcript-rebuilt; emitter-appended) ---
"""Pipeline reference for scband-ple-ngrammer-memory-36756330119655 (READ-ONLY COPY).

The authoritative reference and input builder live on the scoring server;
editing this copy changes nothing except your own understanding.
"""

import jax, jax.numpy as jnp
import numpy as np

TABLE_SIZE = 1000000
MEM_DIM = 128
DIM = 2048
LAYER_ID = 3

def setup_inputs(seed: int = 0) -> dict:
    key = jax.random.key(seed)
    k1, k2, k3, k4 = jax.random.split(key, 4)
    x = jax.random.normal(k1, (4, 4096, DIM), dtype=jnp.float32)
    bigram_ids = jax.random.randint(k2, (4, 4096), 0, TABLE_SIZE)
    E = jax.random.normal(k3, (TABLE_SIZE, MEM_DIM), dtype=jnp.float32) * 0.02
    W = jax.random.normal(k4, (DIM, MEM_DIM), dtype=jnp.float32) * 0.02
    return {"x": x, "bigram_ids": bigram_ids, "layer_id": LAYER_ID, "collect_stats": False, "E": E, "W": W}

def reference(x, bigram_ids, layer_id, collect_stats, E, W):
    # mem = embed(clamp(bigram_ids, 0, table_size-1))
    ids = jnp.clip(bigram_ids, 0, TABLE_SIZE - 1)
    mem = jnp.take(E, ids, axis=0)  # [B, S, mem_dim] gather
    # delta = proj[layer_id](mem)  -- Linear(mem_dim, dim, bias=False): y = mem @ W.T
    delta = mem @ W.T  # [B, S, dim]
    # zero out positions where bigram_id == 0
    mask = (bigram_ids != 0).astype(delta.dtype)[..., None]
    delta = delta * mask
    return delta

if __name__ == "__main__":
    import jax
    _d = setup_inputs()
    print(jax.jit(kernel)(*tuple(_d.values())))

</pallas_src>

<mosaic_0001>
#map = affine_map<(d0, d1) -> (0, 0)>
#map1 = affine_map<(d0, d1) -> (0)>
module attributes {stable_mosaic.version = 14 : i64} {
  func.func @gather_kernel(%arg0: i32, %arg1: i32, %arg2: memref<1000000x128xf32, #tpu.memory_space<hbm>>, %arg3: memref<16384xi32, #tpu.memory_space<hbm>>, %arg4: memref<16384x128xf32, #tpu.memory_space<hbm>>, %arg5: memref<512xi32, #tpu.memory_space<vmem>>, %arg6: memref<512x128xf32, #tpu.memory_space<vmem>>, %arg7: memref<!tpu.dma_semaphore, #tpu.memory_space<semaphore_mem>>, %arg8: memref<!tpu.dma_semaphore, #tpu.memory_space<semaphore_mem>>, %arg9: memref<!tpu.dma_semaphore, #tpu.memory_space<semaphore_mem>>) attributes {dimension_semantics = [#tpu.dimension_semantics<core_parallel>, #tpu.dimension_semantics<subcore_parallel>], iteration_bounds = array<i64: 2, 16>, scalar_prefetch = 0 : i64, scratch_operands = 5 : i64, tpu.core_type = #tpu.core_type<sc_vector_subcore>, window_params = [{transform_indices = #map}, {transform_indices = #map1}, {transform_indices = #map}]} {
    %mul3A = arith.constant 2 : i32
    %mul3A_0 = arith.muli %arg1, %mul3A : i32
    %add3A = arith.addi %mul3A_0, %arg0 : i32
    %mul3A_1 = arith.constant 512 : i32
    %mul3A_2 = arith.muli %add3A, %mul3A_1 : i32
    "tpu.region"() ({
      %run_scoped3A = tpu.sem_alloc : memref<!tpu.dma_semaphore, #tpu.memory_space<semaphore_mem>>
      %dma_start3A_77 = tpu.memref_slice %arg3[%mul3A_2] : memref<16384xi32, #tpu.memory_space<hbm>> -> memref<512xi32, #tpu.memory_space<hbm>>
      %dma_start3A_78 = tpu.memref_slice %arg3[%mul3A_2] : memref<16384xi32, #tpu.memory_space<hbm>> -> memref<512xi32, #tpu.memory_space<hbm>>
      tpu.enqueue_dma source(%dma_start3A_78 : memref<512xi32, #tpu.memory_space<hbm>>) target(%arg5 : memref<512xi32, #tpu.memory_space<vmem>>) target_semaphore(%run_scoped3A : memref<!tpu.dma_semaphore, #tpu.memory_space<semaphore_mem>>)
      %dma_wait3A_79 = tpu.memref_slice %arg3[%mul3A_2] : memref<16384xi32, #tpu.memory_space<hbm>> -> memref<512xi32, #tpu.memory_space<hbm>>
      %dma_wait3A_80 = tpu.memref_slice %arg3[%mul3A_2] : memref<16384xi32, #tpu.memory_space<hbm>> -> memref<512xi32, #tpu.memory_space<hbm>>
      tpu.wait_dma2 semaphore(%run_scoped3A : memref<!tpu.dma_semaphore, #tpu.memory_space<semaphore_mem>>) src(%dma_wait3A_80 : memref<512xi32, #tpu.memory_space<hbm>>) dst(%arg5 : memref<512xi32, #tpu.memory_space<vmem>>)
      tpu.yield
    }) : () -> ()
    %dma_start3A = arith.constant 0 : i32
    %dma_start3A_3 = arith.constant 0 : i32
    %dma_start3A_4 = tpu.memref_slice %arg6[%dma_start3A, %dma_start3A_3] : memref<512x128xf32, #tpu.memory_space<vmem>> -> memref<256x128xf32, #tpu.memory_space<vmem>>
    %dma_start3A_5 = arith.constant 0 : i32
    %dma_start3A_6 = tpu.memref_slice %arg5[%dma_start3A_5] : memref<512xi32, #tpu.memory_space<vmem>> -> memref<256xi32, #tpu.memory_space<vmem>>
    %dma_start3A_7 = arith.constant 0 : i32
    %dma_start3A_8 = arith.constant 0 : i32
    %dma_start3A_9 = tpu.memref_slice %arg2[%dma_start3A_7, %dma_start3A_8] : memref<1000000x128xf32, #tpu.memory_space<hbm>> -> memref<1000000x128xf32, #tpu.memory_space<hbm>>
    tpu.enqueue_indirect_dma source(%dma_start3A_9 : memref<1000000x128xf32, #tpu.memory_space<hbm>>) target(%dma_start3A_4 : memref<256x128xf32, #tpu.memory_space<vmem>>) offsets(%dma_start3A_6 : memref<256xi32, #tpu.memory_space<vmem>>) semaphore(%arg7 : memref<!tpu.dma_semaphore, #tpu.memory_space<semaphore_mem>>)
    %dma_start3A_10 = arith.constant 256 : i32
    %dma_start3A_11 = arith.constant 0 : i32
    %dma_start3A_12 = tpu.memref_slice %arg6[%dma_start3A_10, %dma_start3A_11] : memref<512x128xf32, #tpu.memory_space<vmem>> -> memref<256x128xf32, #tpu.memory_space<vmem>>
    %dma_start3A_13 = arith.constant 256 : i32
    %dma_start3A_14 = tpu.memref_slice %arg5[%dma_start3A_13] : memref<512xi32, #tpu.memory_space<vmem>> -> memref<256xi32, #tpu.memory_space<vmem>>
    %dma_start3A_15 = arith.constant 0 : i32
    %dma_start3A_16 = arith.constant 0 : i32
    %dma_start3A_17 = tpu.memref_slice %arg2[%dma_start3A_15, %dma_start3A_16] : memref<1000000x128xf32, #tpu.memory_space<hbm>> -> memref<1000000x128xf32, #tpu.memory_space<hbm>>
    tpu.enqueue_indirect_dma source(%dma_start3A_17 : memref<1000000x128xf32, #tpu.memory_space<hbm>>) target(%dma_start3A_12 : memref<256x128xf32, #tpu.memory_space<vmem>>) offsets(%dma_start3A_14 : memref<256xi32, #tpu.memory_space<vmem>>) semaphore(%arg8 : memref<!tpu.dma_semaphore, #tpu.memory_space<semaphore_mem>>)
    %dma_wait3A = arith.constant 0 : i32
    %dma_wait3A_18 = arith.constant 0 : i32
    %dma_wait3A_19 = tpu.memref_slice %arg6[%dma_wait3A, %dma_wait3A_18] : memref<512x128xf32, #tpu.memory_space<vmem>> -> memref<256x128xf32, #tpu.memory_space<vmem>>
    %dma_wait3A_20 = arith.constant 0 : i32
    %dma_wait3A_21 = tpu.memref_slice %arg5[%dma_wait3A_20] : memref<512xi32, #tpu.memory_space<vmem>> -> memref<256xi32, #tpu.memory_space<vmem>>
    %dma_wait3A_22 = arith.constant 0 : i32
    %dma_wait3A_23 = arith.constant 0 : i32
    %dma_wait3A_24 = tpu.memref_slice %arg2[%dma_wait3A_22, %dma_wait3A_23] : memref<1000000x128xf32, #tpu.memory_space<hbm>> -> memref<1000000x128xf32, #tpu.memory_space<hbm>>
    tpu.wait_indirect_dma semaphore(%arg7 : memref<!tpu.dma_semaphore, #tpu.memory_space<semaphore_mem>>) src(%dma_wait3A_24 : memref<1000000x128xf32, #tpu.memory_space<hbm>>) dst(%dma_wait3A_19 : memref<256x128xf32, #tpu.memory_space<vmem>>)
    %add3A_25 = arith.constant 0 : i32
    %add3A_26 = arith.addi %mul3A_2, %add3A_25 : i32
    %dma_start3A_27 = arith.constant 0 : i32
    %dma_start3A_28 = arith.constant 0 : i32
    %dma_start3A_29 = tpu.memref_slice %arg6[%dma_start3A_27, %dma_start3A_28] : memref<512x128xf32, #tpu.memory_space<vmem>> -> memref<256x128xf32, #tpu.memory_space<vmem>>
    %dma_start3A_30 = arith.constant 0 : i32
    %dma_start3A_31 = tpu.memref_slice %arg4[%add3A_26, %dma_start3A_30] : memref<16384x128xf32, #tpu.memory_space<hbm>> -> memref<256x128xf32, #tpu.memory_space<hbm>>
    %dma_start3A_32 = arith.constant 0 : i32
    %dma_start3A_33 = tpu.memref_slice %arg4[%add3A_26, %dma_start3A_32] : memref<16384x128xf32, #tpu.memory_space<hbm>> -> memref<256x128xf32, #tpu.memory_space<hbm>>
    %dma_start3A_34 = arith.constant 0 : i32
    %dma_start3A_35 = arith.constant 0 : i32
    %dma_start3A_36 = tpu.memref_slice %arg6[%dma_start3A_34, %dma_start3A_35] : memref<512x128xf32, #tpu.memory_space<vmem>> -> memref<256x128xf32, #tpu.memory_space<vmem>>
    tpu.enqueue_dma source(%dma_start3A_36 : memref<256x128xf32, #tpu.memory_space<vmem>>) target(%dma_start3A_33 : memref<256x128xf32, #tpu.memory_space<hbm>>) target_semaphore(%arg9 : memref<!tpu.dma_semaphore, #tpu.memory_space<semaphore_mem>>)
    %dma_wait3A_37 = arith.constant 256 : i32
    %dma_wait3A_38 = arith.constant 0 : i32
    %dma_wait3A_39 = tpu.memref_slice %arg6[%dma_wait3A_37, %dma_wait3A_38] : memref<512x128xf32, #tpu.memory_space<vmem>> -> memref<256x128xf32, #tpu.memory_space<vmem>>
    %dma_wait3A_40 = arith.constant 256 : i32
    %dma_wait3A_41 = tpu.memref_slice %arg5[%dma_wait3A_40] : memref<512xi32, #tpu.memory_space<vmem>> -> memref<256xi32, #tpu.memory_space<vmem>>
    %dma_wait3A_42 = arith.constant 0 : i32
    %dma_wait3A_43 = arith.constant 0 : i32
    %dma_wait3A_44 = tpu.memref_slice %arg2[%dma_wait3A_42, %dma_wait3A_43] : memref<1000000x128xf32, #tpu.memory_space<hbm>> -> memref<1000000x128xf32, #tpu.memory_space<hbm>>
    tpu.wait_indirect_dma semaphore(%arg8 : memref<!tpu.dma_semaphore, #tpu.memory_space<semaphore_mem>>) src(%dma_wait3A_44 : memref<1000000x128xf32, #tpu.memory_space<hbm>>) dst(%dma_wait3A_39 : memref<256x128xf32, #tpu.memory_space<vmem>>)
    %add3A_45 = arith.constant 256 : i32
    %add3A_46 = arith.addi %mul3A_2, %add3A_45 : i32
    %dma_start3A_47 = arith.constant 256 : i32
    %dma_start3A_48 = arith.constant 0 : i32
    %dma_start3A_49 = tpu.memref_slice %arg6[%dma_start3A_47, %dma_start3A_48] : memref<512x128xf32, #tpu.memory_space<vmem>> -> memref<256x128xf32, #tpu.memory_space<vmem>>
    %dma_start3A_50 = arith.constant 0 : i32
    %dma_start3A_51 = tpu.memref_slice %arg4[%add3A_46, %dma_start3A_50] : memref<16384x128xf32, #tpu.memory_space<hbm>> -> memref<256x128xf32, #tpu.memory_space<hbm>>
    %dma_start3A_52 = arith.constant 0 : i32
    %dma_start3A_53 = tpu.memref_slice %arg4[%add3A_46, %dma_start3A_52] : memref<16384x128xf32, #tpu.memory_space<hbm>> -> memref<256x128xf32, #tpu.memory_space<hbm>>
    %dma_start3A_54 = arith.constant 256 : i32
    %dma_start3A_55 = arith.constant 0 : i32
    %dma_start3A_56 = tpu.memref_slice %arg6[%dma_start3A_54, %dma_start3A_55] : memref<512x128xf32, #tpu.memory_space<vmem>> -> memref<256x128xf32, #tpu.memory_space<vmem>>
    tpu.enqueue_dma source(%dma_start3A_56 : memref<256x128xf32, #tpu.memory_space<vmem>>) target(%dma_start3A_53 : memref<256x128xf32, #tpu.memory_space<hbm>>) target_semaphore(%arg9 : memref<!tpu.dma_semaphore, #tpu.memory_space<semaphore_mem>>)
    %dma_wait3A_57 = arith.constant 0 : i32
    %dma_wait3A_58 = arith.constant 0 : i32
    %dma_wait3A_59 = tpu.memref_slice %arg6[%dma_wait3A_57, %dma_wait3A_58] : memref<512x128xf32, #tpu.memory_space<vmem>> -> memref<256x128xf32, #tpu.memory_space<vmem>>
    %dma_wait3A_60 = arith.constant 0 : i32
    %dma_wait3A_61 = tpu.memref_slice %arg4[%add3A_26, %dma_wait3A_60] : memref<16384x128xf32, #tpu.memory_space<hbm>> -> memref<256x128xf32, #tpu.memory_space<hbm>>
    %dma_wait3A_62 = arith.constant 0 : i32
    %dma_wait3A_63 = tpu.memref_slice %arg4[%add3A_26, %dma_wait3A_62] : memref<16384x128xf32, #tpu.memory_space<hbm>> -> memref<256x128xf32, #tpu.memory_space<hbm>>
    %dma_wait3A_64 = arith.constant 0 : i32
    %dma_wait3A_65 = arith.constant 0 : i32
    %dma_wait3A_66 = tpu.memref_slice %arg6[%dma_wait3A_64, %dma_wait3A_65] : memref<512x128xf32, #tpu.memory_space<vmem>> -> memref<256x128xf32, #tpu.memory_space<vmem>>
    tpu.wait_dma2 semaphore(%arg9 : memref<!tpu.dma_semaphore, #tpu.memory_space<semaphore_mem>>) src(%dma_wait3A_66 : memref<256x128xf32, #tpu.memory_space<vmem>>) dst(%dma_wait3A_63 : memref<256x128xf32, #tpu.memory_space<hbm>>)
    %dma_wait3A_67 = arith.constant 256 : i32
    %dma_wait3A_68 = arith.constant 0 : i32
    %dma_wait3A_69 = tpu.memref_slice %arg6[%dma_wait3A_67, %dma_wait3A_68] : memref<512x128xf32, #tpu.memory_space<vmem>> -> memref<256x128xf32, #tpu.memory_space<vmem>>
    %dma_wait3A_70 = arith.constant 0 : i32
    %dma_wait3A_71 = tpu.memref_slice %arg4[%add3A_46, %dma_wait3A_70] : memref<16384x128xf32, #tpu.memory_space<hbm>> -> memref<256x128xf32, #tpu.memory_space<hbm>>
    %dma_wait3A_72 = arith.constant 0 : i32
    %dma_wait3A_73 = tpu.memref_slice %arg4[%add3A_46, %dma_wait3A_72] : memref<16384x128xf32, #tpu.memory_space<hbm>> -> memref<256x128xf32, #tpu.memory_space<hbm>>
    %dma_wait3A_74 = arith.constant 256 : i32
    %dma_wait3A_75 = arith.constant 0 : i32
    %dma_wait3A_76 = tpu.memref_slice %arg6[%dma_wait3A_74, %dma_wait3A_75] : memref<512x128xf32, #tpu.memory_space<vmem>> -> memref<256x128xf32, #tpu.memory_space<vmem>>
    tpu.wait_dma2 semaphore(%arg9 : memref<!tpu.dma_semaphore, #tpu.memory_space<semaphore_mem>>) src(%dma_wait3A_76 : memref<256x128xf32, #tpu.memory_space<vmem>>) dst(%dma_wait3A_73 : memref<256x128xf32, #tpu.memory_space<hbm>>)
    return
  }
}

module attributes {stable_mosaic.version = 14 : i64} {
  func.func @_mm_body(%arg0: i32, %arg1: memref<1x1x1024xi32, #tpu.memory_space<vmem>>, %arg2: memref<1024x128xf32, #tpu.memory_space<vmem>>, %arg3: memref<2048x128xf32, #tpu.memory_space<vmem>>, %arg4: memref<1024x2048xf32, #tpu.memory_space<vmem>>) attributes {dimension_semantics = [#tpu.dimension_semantics<arbitrary>], iteration_bounds = array<i64: 16>, scalar_prefetch = 0 : i64, scratch_operands = 0 : i64, tpu.core_type = #tpu.core_type<tc>, window_params = [{transform_indices = @transform_0, window_bounds = array<i64: 1, 1, 1024>}, {transform_indices = @transform_1, window_bounds = array<i64: 1024, 128>}, {pipeline_mode = #tpu.pipeline_mode<synchronous>, transform_indices = @transform_2, window_bounds = array<i64: 2048, 128>}, {transform_indices = @transform_3, window_bounds = array<i64: 1024, 2048>}]} {
    %get3A = arith.constant 0 : index
    %get3A_0 = arith.constant 0 : index
    %get3A_1 = arith.constant 0 : index
    %get3A_2 = vector.load %arg1[%get3A, %get3A_0, %get3A_1] : memref<1x1x1024xi32, #tpu.memory_space<vmem>>, vector<1x1x1024xi32>
    %get3A_3 = vector.shape_cast %get3A_2 : vector<1x1x1024xi32> to vector<1024xi32>
    %ne3A = arith.constant 0 : i32
    %ne3A_4 = vector.broadcast %ne3A : i32 to vector<1024xi32>
    %ne3A_5 = arith.cmpi ne, %get3A_3, %ne3A_4 : vector<1024xi32>
    %convert_element_type3A = arith.extui %ne3A_5 : vector<1024xi1> to vector<1024xi32>
    %convert_element_type3A_6 = arith.sitofp %convert_element_type3A : vector<1024xi32> to vector<1024xf32>
    %get3A_7 = arith.constant 0 : index
    %get3A_8 = arith.constant 0 : index
    %get3A_9 = vector.load %arg2[%get3A_7, %get3A_8] : memref<1024x128xf32, #tpu.memory_space<vmem>>, vector<1024x128xf32>
    %broadcast_in_dim3A = vector.shape_cast %convert_element_type3A_6 : vector<1024xf32> to vector<1024x1xf32>
    %mul3A = vector.broadcast %broadcast_in_dim3A : vector<1024x1xf32> to vector<1024x128xf32>
    %mul3A_10 = arith.mulf %get3A_9, %mul3A : vector<1024x128xf32>
    %get3A_11 = arith.constant 0 : index
    %get3A_12 = arith.constant 0 : index
    %get3A_13 = vector.load %arg3[%get3A_11, %get3A_12] : memref<2048x128xf32, #tpu.memory_space<vmem>>, vector<2048x128xf32>
    %dot_general3A = arith.constant dense<0.000000e+00> : vector<1024x2048xf32>
    %dot_general3A_14 = tpu.matmul %mul3A_10, %get3A_13, %dot_general3A {dimension_numbers = #tpu.dot_dimension_numbers<[1], [1], [0], [0], [0, 0, 1, 0], [], []>, transpose_lhs_hint = false} : vector<1024x128xf32>, vector<2048x128xf32>, vector<1024x2048xf32> -> vector<1024x2048xf32>
    %swap3A = arith.constant 0 : index
    %swap3A_15 = arith.constant 0 : index
    %swap3A_16 = vector.load %arg4[%swap3A, %swap3A_15] : memref<1024x2048xf32, #tpu.memory_space<vmem>>, vector<1024x2048xf32>
    tpu.vector_store %arg4[%swap3A, %swap3A_15], %dot_general3A_14 {strides = array<i32>} : memref<1024x2048xf32, #tpu.memory_space<vmem>>, vector<1024x2048xf32>,
    return
  }
  func.func @transform_0(%arg0: i32) -> (i32, i32, i32) {
    %c0_i32 = arith.constant 0 : i32
    %c0_i32_0 = arith.constant 0 : i32
    %c0_i32_1 = arith.constant 0 : i32
    return %arg0, %c0_i32, %c0_i32_0 : i32, i32, i32
  }
  func.func @transform_1(%arg0: i32) -> (i32, i32) {
    %c0_i32 = arith.constant 0 : i32
    %c0_i32_0 = arith.constant 0 : i32
    return %arg0, %c0_i32 : i32, i32
  }
  func.func @transform_2(%arg0: i32) -> (i32, i32) {
    %c0_i32 = arith.constant 0 : i32
    %c0_i32_0 = arith.constant 0 : i32
    %c0_i32_1 = arith.constant 0 : i32
    return %c0_i32, %c0_i32_0 : i32, i32
  }
  func.func @transform_3(%arg0: i32) -> (i32, i32) {
    %c0_i32 = arith.constant 0 : i32
    %c0_i32_0 = arith.constant 0 : i32
    return %arg0, %c0_i32 : i32, i32
  }
}

</mosaic_0001>

<sc_bundles>
// kernel: kernel.4.cloned.1.call-start
scs
__scs_entry_jumppad:
0x0: {  	(pc) =	sbr.rel $0x88, $3  }
0x1: {  	(tag) =	ssettag $0x0;
	lr =	simm.s32 $0x1  }
0x2: {  	[smem:$0x3F9E] =	sst lr;
	_ =	strace $0xD0000000  }
0x3: {  	_ = 	snop  }
0x4: {  	_ = 	snop  }
0x5: {  	_ = 	snop  }
0x6: {  	_ = 	snop  }
0x7: {  	_ = 	snop  }
__scs_overlays_trampoline_lowered:
0x8: {  	[smem:$0x3FAD] =	sst s0  }
0x9: {  	[smem:$0x3FAE] =	sst s1  }
0xa: {  	[smem:$0x3FAF] =	sst s2  }
0xb: {  	[smem:$0x3FB0] =	sst s3  }
0xc: {  	[smem:$0x3FB1] =	sst s4  }
0xd: {  	[smem:$0x3FB2] =	sst s5  }
0xe: {  	[smem:$0x3FB3] =	sst s6  }
0xf: {  	[smem:$0x3FB4] =	sst s7  }
0x10: {  	[smem:$0x3FB5] =	sst s8  }
0x11: {  	[smem:$0x3FB6] =	sst s9;
	s0 =	simm.s32 @!p0 $0x0  }
0x12: {  	s1 =	sld [smem:$0x3F9C];
	s0 =	simm.s32 @p0 $0x1  }
0x13: {  	[smem:$0x3FB7] =	sst s0;
	s0 =	simm.s32 @!p1 $0x0  }
0x14: {  	s2 =	sld [smem:$0x3F9B];
	s0 =	simm.s32 @p1 $0x1  }
0x15: {  	[smem:$0x3FB8] =	sst s0;
	s0 =	simm.s32 @!p2 $0x0  }
0x16: {  	s3 =	sld [smem:$0x3FDB];
	s0 =	simm.s32 @p2 $0x1  }
0x17: {  	s4 =	simm.s32 $0x1BF5;
	[smem:$0x3FBA] =	sst s0  }
0x18: {  	s0 =	sld [smem:$0x3F9D];
	_ =	swait.ge [sflag:s4], $0x0  }
0x19: {  	s7 =	sld [smem:$0x3F9E]  }
0x1a: {  	s8 =	sadd.s32 $0xFFFFE003, lr  }
0x1b: {  	s9 =	sadd.s32 $0xFFFFFEF7, lr;
	s5 =	simm.s32 $0xFFFFFFFF;
	p2 =	slt.u32 s8, $0xFFFFF086  }
0x1c: {  	p1 =	slt.u32 s9, $0xF7A;
	s5 =	simm.s32 @!p2 $0x0  }
0x1d: {  	s5 =	simm.s32 @p1 $0x1;
	p0 =	seq.s32 s7, s2  }
0x1e: {  	s7 =	smul.u32 @!p0 $0xF7A, s2;
	p2 =	seq.s32 @!p0 s5, $0x0  }
0x1f: {  	s9 =	smul.u32 $0xF7A, s1;
	s8 =	simm.s32 @!p0 $0x1BF5;
	p2 =	por !p2, p0  }
0x20: {  	[sflag:s8] =	ssyncset.s32 @!p0 $0xFFFFF086;
	s6 =	sadd.s32 @!p0 s3, s7;
	s7 =	simm.s32 @!p0 $0x108  }
0x21: {  	s3 =	sadd.s32 s3, s9;
	s6 =	sadd.s32 @!p0 $0x88, s6;
	s7 =	simm.s32 @p2 $0x1082  }
0x22: {  	[simem:s7], [sflag:s8] =	dma.local @!p0 [hbm:s6], $0xF7A  }
0x23: {  	s9 =	sor.u32 $0xD0000000, s2;
	s6 =	simm.s32 $0x108;
	_ =	swait.ge @!p0 [sflag:s8], $0x0  }
0x24: {  	s3 =	sadd.s32 $0x88, s3;
	s6 =	simm.s32 @!p1 $0x1082;
	[sflag:s4] =	ssyncset.s32 $0xFFFFF086  }
0x25: {  	[simem:s6], [sflag:s4] =	dma.local [hbm:s3], $0xF7A  }
0x26: {  	[smem:$0x3F9E] =	sst s1;
	(tag) =	ssettag s2;
	_ =	strace s9  }
0x27: {  	s1 =	sld [smem:$0x3FAE]  }
0x28: {  	s2 =	sld [smem:$0x3FAF]  }
0x29: {  	s4 =	sld [smem:$0x3FB1]  }
0x2a: {  	p0 =	seq.s32 s5, $0x0;
	s5 =	sld [smem:$0x3FB2]  }
0x2b: {  	s6 =	sld [smem:$0x3FB3]  }
0x2c: {  	s7 =	sld [smem:$0x3FB4]  }
0x2d: {  	s3 =	simm.s32 $0x108;
	s8 =	sld [smem:$0x3FB5]  }
0x2e: {  	s3 =	simm.s32 @!p0 $0x1082;
	s9 =	sld [smem:$0x3FB6]  }
0x2f: {  	lr =	sadd.s32 s0, s3;
	s0 =	sld [smem:$0x3FAD]  }
0x30: {  	s3 =	sld [smem:$0x3FB0]  }
0x31: {  	[smem:$0x3FB9] =	sst s10  }
0x32: {  	s10 =	sld [smem:$0x3FB7];
	_ =	sdelay $0x3  }
0x33: {  	p0 =	seq.s32 s10, $0x1;
	s10 =	sld [smem:$0x3FB9];
	_ =	sdelay $0x3  }
0x34: {  	[smem:$0x3FB9] =	sst s10  }
0x35: {  	s10 =	sld [smem:$0x3FB8];
	_ =	sdelay $0x3  }
0x36: {  	p1 =	seq.s32 s10, $0x1;
	s10 =	sld [smem:$0x3FB9];
	_ =	sdelay $0x3  }
0x37: {  	[smem:$0x3FB9] =	sst s10  }
0x38: {  	s10 =	sld [smem:$0x3FBA]  }
0x39: {  	_ = 	snop;
	(pc) =	sbr.ind lr, $3  }
0x3a: {  	_ = 	snop  }
0x3b: {  	_ = 	snop  }
0x3c: {  	p2 =	seq.s32 s10, $0x1;
	s10 =	sld [smem:$0x3FB9]  }
0x3d: {  	_ =	shalt  }
0x3e: {  	_ =	shalt  }
0x3f: {  	_ =	shalt  }
0x40: {  	_ =	shalt  }
0x41: {  	_ =	shalt  }
0x42: {  	_ =	shalt  }
0x43: {  	_ =	shalt  }
0x44: {  	_ =	shalt  }
0x45: {  	_ =	shalt  }
0x46: {  	_ =	shalt  }
0x47: {  	_ =	shalt  }
0x48: {  	_ =	shalt  }
0x49: {  	_ =	shalt  }
0x4a: {  	_ =	shalt  }
0x4b: {  	_ =	shalt  }
0x4c: {  	_ =	shalt  }
0x4d: {  	_ =	shalt  }
0x4e: {  	_ =	shalt  }
0x4f: {  	_ =	shalt  }
0x50: {  	_ =	shalt  }
0x51: {  	_ =	shalt  }
0x52: {  	_ =	shalt  }
0x53: {  	_ =	shalt  }
0x54: {  	_ =	shalt  }
0x55: {  	_ =	shalt  }
0x56: {  	_ =	shalt  }
0x57: {  	_ =	shalt  }
0x58: {  	_ =	shalt  }
0x59: {  	_ =	shalt  }
0x5a: {  	_ =	shalt  }
0x5b: {  	_ =	shalt  }
0x5c: {  	_ =	shalt  }
0x5d: {  	_ =	shalt  }
0x5e: {  	_ =	shalt  }
0x5f: {  	_ =	shalt  }
0x60: {  	_ =	shalt  }
0x61: {  	_ =	shalt  }
0x62: {  	_ =	shalt  }
0x63: {  	_ =	shalt  }
0x64: {  	_ =	shalt  }
0x65: {  	_ =	shalt  }
0x66: {  	_ =	shalt  }
0x67: {  	_ =	shalt  }
0x68: {  	_ =	shalt  }
0x69: {  	_ =	shalt  }
0x6a: {  	_ =	shalt  }
0x6b: {  	_ =	shalt  }
0x6c: {  	_ =	shalt  }
0x6d: {  	_ =	shalt  }
0x6e: {  	_ =	shalt  }
0x6f: {  	_ =	shalt  }
0x70: {  	_ =	shalt  }
0x71: {  	_ =	shalt  }
0x72: {  	_ =	shalt  }
0x73: {  	_ =	shalt  }
0x74: {  	_ =	shalt  }
0x75: {  	_ =	shalt  }
0x76: {  	_ =	shalt  }
0x77: {  	_ =	shalt  }
0x78: {  	_ =	shalt  }
0x79: {  	_ =	shalt  }
0x7a: {  	_ =	shalt  }
0x7b: {  	_ =	shalt  }
0x7c: {  	_ =	shalt  }
0x7d: {  	_ =	shalt  }
0x7e: {  	_ =	shalt  }
0x7f: {  	_ =	shalt  }
0x80: {  	_ =	shalt  }
0x81: {  	_ =	shalt  }
0x82: {  	_ =	shalt  }
0x83: {  	_ =	shalt  }
0x84: {  	_ =	shalt  }
0x85: {  	_ =	shalt  }
0x86: {  	_ =	shalt  }
0x87: {  	_ =	shalt  }
.Lfunc_end0:
.L_simem_size_0:
called_computation_lowered:
.L_overlay_start_0:
0x88: {  	s2 =	sld [smem:$0x3FD9]  }
0x89: {  	s3 =	sld [smem:$0x3FFE];
	_ =	sdelay $0x1  }
0x8a: {  	s1 =	srdreg.scid  }
0x8b: {  	s0 =	sand.u32 $0x1, s1  }
0x8c: {  	s17 =	sshll.u32 s0, $0xA;
	s2 =	sadd.s32 s3, s2  }
0x8d: {  	s2 =	sadd.s32 s2, s17  }
0x8e: {  	[smem:$0x3FC5] =	sst s2  }
0x8f: {  	_ = 	snop  }
0x90: {  	s2 =	sld [smem:$0x3FC8]  }
0x91: {  	s18 =	sld [smem:$0x3FD0];
	(tm) =	ssettm $0x1  }
0x92: {  	s4 =	sld [smem:$0x3FFB];
	_ =	sdelay $0x3  }
0x93: {  	_ =	strace s4  }
0x94: {  	s4 =	sld [smem:$0x3FFC];
	_ =	sdelay $0x3  }
0x95: {  	_ =	strace s4  }
0x96: {  	s4 =	sld [smem:$0x3FFD];
	_ =	sdelay $0x3  }
0x97: {  	_ =	strace s4  }
0x98: {  	_ =	strace $0x8FFFFFFF  }
0x99: {  	s19 =	sld [smem:$0x3FDB];
	_ =	sdelay $0x1  }
0x9a: {  	s5 =	simm.s32 $_scs_section_size  }
0x9b: {  	s6 =	simm.s32 $_size__tile_overlayer_lowered;
	s7 =	simm.s32 $_tile_overlayer_lowered  }
0x9c: {  	s22 =	simm.s32 $0x1BFF;
	s21 =	sshll.u32 s7, $0x1;
	s4 =	sadd.s32 s5, s19  }
0x9d: {  	s8 =	simm.s32 $0x0;
	s20 =	sshll.u32 s6, $0x1;
	s6 =	sadd.s32 s21, s4  }
0x9e: {  	[timem:s8], [sflag:s22] =	dma.local [hbm:s6], s20  }
0x9f: {  	_ =	swait.ge [sflag:s22], s20  }
0xa0: {  	s5 =	ssub.s32 $0x0, s20;
	[sflag:s22] =	ssyncset.done $0x0  }
0xa1: {  	[sflag:s22] =	ssyncadd.s32 s5;
	_ =	sdelay $0x1  }
0xa2: {  	s23 =	simm.s32 $0x1B8B  }
0xa3: {  	_ =	swait.ge [sflag:s23], $0x1  }
0xa4: {  	[sflag:s23] =	ssyncset.done $0x0  }
0xa5: {  	s25 =	simm.s32 $0x1B8E;
	s24 =	sld [smem:$0x3FFE];
	[sflag:s23] =	ssyncadd.s32 $0xFFFFFFFF  }
0xa6: {  	s26 =	simm.s32 $execute0_lowered;
	[smem:$0x3FD2] =	sst s25  }
0xa7: {  	s6 =	sshll.u32 s26, $0x1;
	_ =	strace $0x80000046;
	[dreg:$0x1] =	wrdreg $0xFFFFFFFF  }
0xa8: {  	s28 =	simm.s32 $_size_execute0_lowered;
	s4 =	sadd.s32 s4, s6;
	[dreg:$0x0] =	wrdreg $0x0  }
0xa9: {  	s6 =	sshll.u32 s28, $0x1;
	[dreg:$0x2] =	wrdreg s4  }
0xaa: {  	[dreg:$0x3] =	wrdreg s6  }
0xab: {  	[dreg:$0x4] =	wrdreg $0xC0  }
0xac: {  	_ =	task [dreg:s8], $0x5FFFF  }
0xad: {  	[dreg:$0x1] =	wrdreg $0xFFFFFFFF  }
0xae: {  	[dreg:$0x0] =	wrdreg $0x60  }
0xaf: {  	[dreg:$0x2] =	wrdreg s2  }
0xb0: {  	[dreg:$0x3] =	wrdreg s24  }
0xb1: {  	[dreg:$0x4] =	wrdreg s18  }
0xb2: {  	[dreg:$0x5] =	wrdreg $0x9  }
0xb3: {  	_ =	task.clear_ibuf [dreg:s8], $0x6FFFF;
	_ =	strace $0x90000046  }
0xb4: {  	s29 =	simm.s32 $0x9;
	_ =	strace $0x80000048  }
0xb5: {  	_ =	swait.ge [sflag:s29], $0x1  }
0xb6: {  	[sflag:s29] =	ssyncadd.s32 $0xFFFFFFFF  }
0xb7: {  	_ =	strace $0x90000048  }
0xb8: {  	_ =	sfence  }
0xb9: {  	s30 =	sld [smem:$0x0];
	_ =	sdelay $0x2  }
0xba: {  	s31 =	sshll.u32 s1, $0xD;
	s1 =	sshrl.u32 s1, $0x2  }
0xbb: {  	s3 =	sand.u32 $0x4000, s31;
	s1 =	sadd.s32 s1, s30  }
0xbc: {  	s0 =	sor.u32 s3, s0;
	s1 =	sshll.u32 s1, $0x11  }
0xbd: {  	s0 =	sor.u32 s1, s0  }
0xbe: {  	s0 =	sadd.s32 $0x8F2B, s0  }
0xbf: {  	[sflag:s0] =	ssyncadd.remote.s32 $0x1  }
0xc0: {  	_ =	sfence.sel $0xFFFF  }
0xc1: {  	[dreg:$0x0] =	wrdreg $0xFFFFFFFF;
	(pc) =	sbr.abs _section_cstart, $3  }
0xc2: {  	[dreg:$0x1] =	wrdreg $0xFFFFFFFF  }
0xc3: {  	_ =	task.clear_ibuf [dreg:s8], $0x2FFFF;
	_ =	strace $0x9FFFFFFF  }
0xc4: {  	(tm) =	ssettm $0x7FFFFFFF  }
0xc5: {  	_ =	shalt  }
tec
execute0_lowered:
.L_overlay_start_1:
0x0: {  	(tag) =	ssettag $0x1  }
0x1: {  	s2 =	srdreg.scid  }
0x2: {  	s1 =	rddreg [dreg:$0x0];
	s0 =	stileid.u32;
	s12 =	sand.u32 $0x1, s2  }
0x3: {  	s4 =	rddreg [dreg:$0x1];
	s31 =	sshll.u32 s0, $0xA;
	s3 =	sshll.u32 s12, $0x9  }
0x4: {  	s10 =	rddreg [dreg:$0x2];
	s11 =	sor.u32 s3, s31  }
0x5: {  	s2 =	rddreg [dreg:$0x3];
	s3 =	simm.s32 $0x0;
	s5 =	sshrl.u32 s11, $0x3  }
0x6: {  	[smem:$0x7FF] =	sst s3;
	s4 =	sadd.s32 s5, s4  }
0x7: {  	_ =	strace $0x80000047;
	s5 =	simm.s32 $0x4;
	s4 =	sadd.s32 $0xA00, s4  }
0x8: {  	[tilespmem:s3], [sflag:$0x4] =	stream.linear.gather [hbm4b:s4+s3], $0x200, $0x38;
	[tilespmem:$0x10200] =	vst v63  }
0x9: {  	_ =	swait.ge [sflag:s5], $0x200  }
0xa: {  	[sflag:s5] =	ssyncset.done $0x0  }
0xb: {  	s6 =	simm.s32 $0x100;
	s7 =	simm.s32 $0x200;
	[sflag:s5] =	ssyncadd.s32 $0xFFFFFE00  }
0xc: {  	[tilespmem:s7], [sflag:$0x1] =	stream.indirect.gather [hbm4b:s1+s6], $0x80, s3, s6, $0xb8;
	[tilespmem:$0x10200] =	vst v63  }
0xd: {  	s8 =	simm.s32 $0x8200;
	s9 =	simm.s32 $0x1  }
0xe: {  	[tilespmem:s8], [sflag:$0x2] =	stream.indirect.gather [hbm4b:s1+s6], $0x80, s6, s6, $0xb8;
	[tilespmem:$0x10200] =	vst v63  }
0xf: {  	s14 =	ssub.s32 $0x2, s12;
	_ =	swait.ge [sflag:s9], $0x8000  }
0x10: {  	s15 =	sshrl.u32 s14, $0x1;
	s11 =	sshll.u32 s11, $0x4;
	[sflag:s9] =	ssyncset.done $0x0  }
0x11: {  	s10 =	sadd.s32 s10, s11;
	s11 =	simm.s32 $0x2;
	[sflag:s9] =	ssyncadd.s32 $0xFFFF8000  }
0x12: {  	[hbm4b:s10+s3] =	stream.linear.scatter [tilespmem:s7], [sflag:$0x3], $0x8000, $0x38;
	[tilespmem:$0x10200] =	vst v63  }
0x13: {  	s14 =	ssub.s32 s14, s15;
	_ =	swait.ge [sflag:s11], $0x8000  }
0x14: {  	s12 =	simm.s32 $0x3;
	s14 =	smax.u32 s14, $0x1;
	[sflag:s11] =	ssyncset.done $0x0  }
0x15: {  	s13 =	sadd.s32 $0x1000, s10;
	p0 =	sne.s32 s14, $0x1;
	[sflag:s11] =	ssyncadd.s32 $0xFFFF8000  }
0x16: {  	[hbm4b:s13+s3] =	stream.linear.scatter [tilespmem:s8], [sflag:$0x3], $0x8000, $0x38;
	[tilespmem:$0x10200] =	vst v63  }
.Ltmp0:
0x17: {  	_ =	swait.ge [sflag:s12], $0x8000;
	(pc) =	sbr.rel @!p0 .LBB2_2-.Ltmp0, $4  }
0x18: {  	[sflag:s12] =	ssyncset.done $0x0  }
0x19: {  	[sflag:s12] =	ssyncadd.s32 $0xFFFF8000  }
0x1a: {  	_ =	swait.ge [sflag:s12], $0x8000  }
0x1b: {  	s14 =	sadd.s32 $0xFFFFFFFF, s14;
	[sflag:s12] =	ssyncset.done $0x0  }
.LBB2_1:
0x1c: {  	p0 =	sne.s32 s14, $0x1;
	s14 =	sadd.s32 $0xFFFFFFFF, s14;
	[sflag:s12] =	ssyncadd.s32 $0xFFFF8000  }
0x1d: {  	[tilespmem:s3], [sflag:$0x4] =	stream.linear.gather [hbm4b:s4+s3], $0x200, $0x38;
	[tilespmem:$0x10200] =	vst v63  }
0x1e: {  	_ =	swait.ge [sflag:s5], $0x200  }
0x1f: {  	[sflag:s5] =	ssyncset.done $0x0  }
0x20: {  	[sflag:s5] =	ssyncadd.s32 $0xFFFFFE00  }
0x21: {  	[tilespmem:s7], [sflag:$0x1] =	stream.indirect.gather [hbm4b:s1+s6], $0x80, s3, s6, $0xb8;
	[tilespmem:$0x10200] =	vst v63  }
0x22: {  	_ = 	snop  }
0x23: {  	[tilespmem:s8], [sflag:$0x2] =	stream.indirect.gather [hbm4b:s1+s6], $0x80, s6, s6, $0xb8;
	[tilespmem:$0x10200] =	vst v63  }
0x24: {  	_ =	swait.ge [sflag:s9], $0x8000  }
0x25: {  	[sflag:s9] =	ssyncset.done $0x0  }
0x26: {  	[sflag:s9] =	ssyncadd.s32 $0xFFFF8000  }
0x27: {  	[hbm4b:s10+s3] =	stream.linear.scatter [tilespmem:s7], [sflag:$0x3], $0x8000, $0x38;
	[tilespmem:$0x10200] =	vst v63  }
0x28: {  	_ =	swait.ge [sflag:s11], $0x8000  }
0x29: {  	[sflag:s11] =	ssyncset.done $0x0  }
0x2a: {  	[sflag:s11] =	ssyncadd.s32 $0xFFFF8000  }
0x2b: {  	[hbm4b:s13+s3] =	stream.linear.scatter [tilespmem:s8], [sflag:$0x3], $0x8000, $0x38;
	[tilespmem:$0x10200] =	vst v63  }
.Ltmp1:
0x2c: {  	_ =	swait.ge [sflag:s12], $0x8000;
	(pc) =	sbr.rel @p0 .LBB2_1-.Ltmp1, $4  }
0x2d: {  	[sflag:s12] =	ssyncset.done $0x0  }
0x2e: {  	[sflag:s12] =	ssyncadd.s32 $0xFFFF8000  }
0x2f: {  	_ =	swait.ge [sflag:s12], $0x8000  }
0x30: {  	[sflag:s12] =	ssyncset.done $0x0  }
.LBB2_2:
0x31: {  	[sflag:s12] =	ssyncadd.s32 $0xFFFF8000  }
0x32: {  	_ =	sfence.sel $0x180000  }
0x33: {  	[bflag:$0x0] =	sbarrier.arrive $0xFFFF  }
0x34: {  	p0 =	sne.s32 s0, $0x0;
	_ =	strace $0x90000047  }
0x35: {  	s0 =	sadd.s32 @!p0 $0x100000, s2;
	[bflag:$0x2] =	sbarrier.arrive $0xFFFF  }
0x36: {  	[sflag:s0] =	ssyncadd.tile.s32 @!p0 $0x1;
	_ =	shalt  }
.Lfunc_end2:
_tile_overlayer_lowered:
.L_overlay_start_2:
0x37: {  	(tag) =	ssettag $0x2  }
0x38: {  	s0 =	rddreg [dreg:$0x0];
	s2 =	stileid.u32  }
0x39: {  	s1 =	rddreg [dreg:$0x1];
	p0 =	sne.s32 s2, $0x0  }
0x3a: {  	s3 =	rddreg [dreg:$0x2];
	[bflag:$0x3] =	sbarrier.arrive $0xFFFF;
	s2 =	simm.s32 @!p0 $0x1C04  }
0x3b: {  	[timem:s3], [sflag:s2] =	dma.local @!p0 [hbm:s0], s1  }
0x3c: {  	s0 =	simm.s32 @!p0 $0x4  }
0x3d: {  	_ =	swait.ge @!p0 [sflag:s0], s1  }
0x3e: {  	s1 =	ssub.s32 @!p0 $0x0, s1;
	[sflag:s0] =	ssyncset.done @!p0 $0x0  }
0x3f: {  	[sflag:s0] =	ssyncadd.s32 @!p0 s1  }
0x40: {  	[bflag:$0x3] =	sbarrier.arrive $0xFFFF  }
0x41: {  	_ =	shalt  }

</sc_bundles>
